<compile_context>
chip_gen: v7x
topology: tpu7x:2x2x1
jax: 0.10.2.dev20260603
libtpu: 0.0.44.dev20260713+nightly
codegen_flags: <defaults>
</compile_context>

<pallas_src>
import functools

import jax
import jax.numpy as jnp
from jax import lax
from jax.experimental import pallas as pl
from jax.experimental.pallas import tpu as pltpu
from jax.experimental.pallas import tpu_sc as plsc

BATCH = 1024
STATE_DIM = 768
LATENT_DIM = 256
NUM_EMB = 1024
HIDDEN = 64

_HI = jax.lax.Precision.HIGHEST

_NC = 2
_NS = 16
_NW = _NC * _NS
_B_PER_W = BATCH // _NW


def _encode_body(x_ref, W1_ref, b1_ref, W2_ref, b2_ref, emb_ref,
                 ze_ref, idx_ref):
    x = x_ref[...]
    h = jnp.maximum(
        jnp.dot(x, W1_ref[...], preferred_element_type=jnp.float32) + b1_ref[...], 0.0)
    z_e = jnp.dot(h, W2_ref[...], preferred_element_type=jnp.float32) + b2_ref[...]
    ze_ref[...] = z_e

    emb = emb_ref[...]
    scores = jax.lax.dot_general(
        z_e, emb, (((1,), (1,)), ((), ())),
        preferred_element_type=jnp.float32, precision=_HI)
    emb_sq = jax.lax.dot_general(
        jnp.ones((1, LATENT_DIM), jnp.float32), emb * emb,
        (((1,), (1,)), ((), ())), preferred_element_type=jnp.float32,
        precision=_HI)
    dist = emb_sq - 2.0 * scores

    iota = jax.lax.broadcasted_iota(jnp.int32, (BATCH, NUM_EMB), 1)
    m1 = jnp.min(dist, axis=1, keepdims=True)
    idx_ref[...] = jnp.min(jnp.where(dist <= m1, iota, NUM_EMB), axis=1,
                           keepdims=True)


def _decode_body(zq_ref, W3_ref, b3_ref, W4_ref, b4_ref, xr_ref):
    h2 = jnp.maximum(
        jnp.dot(zq_ref[...], W3_ref[...], preferred_element_type=jnp.float32)
        + b3_ref[...], 0.0)
    xr_ref[...] = jnp.dot(h2, W4_ref[...], preferred_element_type=jnp.float32) + b4_ref[...]


def _sc_gather_body(emb_hbm, idx_hbm, out_hbm, idx_v, rows_v, sem):
    wid = lax.axis_index("s") * _NC + lax.axis_index("c")
    base = wid * _B_PER_W
    pltpu.sync_copy(idx_hbm.at[pl.ds(base, _B_PER_W)], idx_v)
    pltpu.async_copy(emb_hbm.at[idx_v], rows_v, sem).wait()
    pltpu.sync_copy(rows_v, out_hbm.at[pl.ds(base, _B_PER_W)])


_sc_gather = functools.partial(
    pl.kernel,
    mesh=plsc.VectorSubcoreMesh(core_axis_name="c", subcore_axis_name="s"),
    out_type=jax.ShapeDtypeStruct((BATCH, LATENT_DIM), jnp.float32),
    scratch_types=[
        pltpu.VMEM((_B_PER_W,), jnp.int32),
        pltpu.VMEM((_B_PER_W, LATENT_DIM), jnp.float32),
        pltpu.SemaphoreType.DMA,
    ],
)(_sc_gather_body)


@jax.jit
def kernel(x, W1, b1, W2, b2, emb, W3, b3, W4, b4):
    b1r = b1.reshape(1, HIDDEN)
    b2r = b2.reshape(1, LATENT_DIM)
    b3r = b3.reshape(1, HIDDEN)
    b4r = b4.reshape(1, STATE_DIM)
    full = lambda *_: (0, 0)
    z_e, idx = pl.pallas_call(
        _encode_body,
        grid=(1,),
        in_specs=[
            pl.BlockSpec((BATCH, STATE_DIM), full),
            pl.BlockSpec((STATE_DIM, HIDDEN), full),
            pl.BlockSpec((1, HIDDEN), full),
            pl.BlockSpec((HIDDEN, LATENT_DIM), full),
            pl.BlockSpec((1, LATENT_DIM), full),
            pl.BlockSpec((NUM_EMB, LATENT_DIM), full),
        ],
        out_specs=[
            pl.BlockSpec((BATCH, LATENT_DIM), full),
            pl.BlockSpec((BATCH, 1), full),
        ],
        out_shape=[
            jax.ShapeDtypeStruct((BATCH, LATENT_DIM), jnp.float32),
            jax.ShapeDtypeStruct((BATCH, 1), jnp.int32),
        ],
    )(x, W1, b1r, W2, b2r, emb)

    z_q = _sc_gather(emb, idx.reshape(BATCH))

    x_recon = pl.pallas_call(
        _decode_body,
        grid=(1,),
        in_specs=[
            pl.BlockSpec((BATCH, LATENT_DIM), full),
            pl.BlockSpec((LATENT_DIM, HIDDEN), full),
            pl.BlockSpec((1, HIDDEN), full),
            pl.BlockSpec((HIDDEN, STATE_DIM), full),
            pl.BlockSpec((1, STATE_DIM), full),
        ],
        out_specs=pl.BlockSpec((BATCH, STATE_DIM), full),
        out_shape=jax.ShapeDtypeStruct((BATCH, STATE_DIM), jnp.float32),
    )(z_q, W3, b3r, W4, b4r)
    return (x_recon, z_e, z_q)

# --- scband reference (transcript-rebuilt; emitter-appended) ---
"""Pipeline reference for scband-discrete-autoencoder-1288490188901 (READ-ONLY COPY).

The authoritative reference and input builder live on the scoring server;
editing this copy changes nothing except your own understanding.
"""

import jax, jax.numpy as jnp
import numpy as np

STATE_DIM = 768
LATENT_DIM = 256
NUM_EMB = 1024
HIDDEN = 64
BATCH = 1024


def setup_inputs(seed: int = 0) -> dict:
    key = jax.random.key(seed)
    ks = jax.random.split(key, 10)
    x = jax.random.normal(ks[0], (BATCH, STATE_DIM), dtype=jnp.float32)
    # encoder params
    W1 = jax.random.normal(ks[1], (STATE_DIM, HIDDEN), dtype=jnp.float32) * (1.0 / np.sqrt(STATE_DIM))
    b1 = jnp.zeros((HIDDEN,), dtype=jnp.float32)
    W2 = jax.random.normal(ks[2], (HIDDEN, LATENT_DIM), dtype=jnp.float32) * (1.0 / np.sqrt(HIDDEN))
    b2 = jnp.zeros((LATENT_DIM,), dtype=jnp.float32)
    # codebook
    emb = jax.random.normal(ks[3], (NUM_EMB, LATENT_DIM), dtype=jnp.float32)
    # decoder params
    W3 = jax.random.normal(ks[4], (LATENT_DIM, HIDDEN), dtype=jnp.float32) * (1.0 / np.sqrt(LATENT_DIM))
    b3 = jnp.zeros((HIDDEN,), dtype=jnp.float32)
    W4 = jax.random.normal(ks[5], (HIDDEN, STATE_DIM), dtype=jnp.float32) * (1.0 / np.sqrt(HIDDEN))
    b4 = jnp.zeros((STATE_DIM,), dtype=jnp.float32)
    return {"x": x, "W1": W1, "b1": b1, "W2": W2, "b2": b2, "emb": emb, "W3": W3, "b3": b3, "W4": W4, "b4": b4}


def reference(x, W1, b1, W2, b2, emb, W3, b3, W4, b4):
    # encoder: Linear -> ReLU -> Linear
    h = jax.nn.relu(x @ W1 + b1)
    z_e = h @ W2 + b2
    # squared L2 distances to every codebook entry: [B, K]
    distances = jnp.sum((z_e[:, None, :] - emb[None, :, :]) ** 2, axis=2)
    z_q_indices = jnp.argmin(distances, axis=1)
    # embedding lookup (gather)
    z_q = jnp.take(emb, z_q_indices, axis=0)
    # decoder: Linear -> ReLU -> Linear
    h2 = jax.nn.relu(z_q @ W3 + b3)
    x_recon = h2 @ W4 + b4
    return (x_recon, z_e, z_q)

if __name__ == "__main__":
    import jax
    _d = setup_inputs()
    print(jax.jit(kernel)(*tuple(_d.values())))

</pallas_src>

<mosaic_0001>
#map = affine_map<(d0, d1) -> (0, 0)>
#map1 = affine_map<(d0, d1) -> (0)>
module attributes {stable_mosaic.version = 14 : i64} {
  func.func @_sc_gather_body(%arg0: i32, %arg1: i32, %arg2: memref<1024x256xf32, #tpu.memory_space<hbm>>, %arg3: memref<1024xi32, #tpu.memory_space<hbm>>, %arg4: memref<1024x256xf32, #tpu.memory_space<hbm>>, %arg5: memref<32xi32, #tpu.memory_space<vmem>>, %arg6: memref<32x256xf32, #tpu.memory_space<vmem>>, %arg7: memref<!tpu.dma_semaphore, #tpu.memory_space<semaphore_mem>>) attributes {dimension_semantics = [#tpu.dimension_semantics<core_parallel>, #tpu.dimension_semantics<subcore_parallel>], iteration_bounds = array<i64: 2, 16>, scalar_prefetch = 0 : i64, scratch_operands = 3 : i64, tpu.core_type = #tpu.core_type<sc_vector_subcore>, window_params = [{transform_indices = #map}, {transform_indices = #map1}, {transform_indices = #map}]} {
    %mul3A = arith.constant 2 : i32
    %mul3A_0 = arith.muli %arg1, %mul3A : i32
    %add3A = arith.addi %mul3A_0, %arg0 : i32
    %mul3A_1 = arith.constant 32 : i32
    %mul3A_2 = arith.muli %add3A, %mul3A_1 : i32
    "tpu.region"() ({
      %run_scoped3A = tpu.sem_alloc : memref<!tpu.dma_semaphore, #tpu.memory_space<semaphore_mem>>
      %dma_start3A_7 = tpu.memref_slice %arg3[%mul3A_2] : memref<1024xi32, #tpu.memory_space<hbm>> -> memref<32xi32, #tpu.memory_space<hbm>>
      %dma_start3A_8 = tpu.memref_slice %arg3[%mul3A_2] : memref<1024xi32, #tpu.memory_space<hbm>> -> memref<32xi32, #tpu.memory_space<hbm>>
      tpu.enqueue_dma source(%dma_start3A_8 : memref<32xi32, #tpu.memory_space<hbm>>) target(%arg5 : memref<32xi32, #tpu.memory_space<vmem>>) target_semaphore(%run_scoped3A : memref<!tpu.dma_semaphore, #tpu.memory_space<semaphore_mem>>)
      %dma_wait3A_9 = tpu.memref_slice %arg3[%mul3A_2] : memref<1024xi32, #tpu.memory_space<hbm>> -> memref<32xi32, #tpu.memory_space<hbm>>
      %dma_wait3A_10 = tpu.memref_slice %arg3[%mul3A_2] : memref<1024xi32, #tpu.memory_space<hbm>> -> memref<32xi32, #tpu.memory_space<hbm>>
      tpu.wait_dma2 semaphore(%run_scoped3A : memref<!tpu.dma_semaphore, #tpu.memory_space<semaphore_mem>>) src(%dma_wait3A_10 : memref<32xi32, #tpu.memory_space<hbm>>) dst(%arg5 : memref<32xi32, #tpu.memory_space<vmem>>)
      tpu.yield
    }) : () -> ()
    %dma_start3A = arith.constant 0 : i32
    %dma_start3A_3 = arith.constant 0 : i32
    %dma_start3A_4 = tpu.memref_slice %arg2[%dma_start3A, %dma_start3A_3] : memref<1024x256xf32, #tpu.memory_space<hbm>> -> memref<1024x256xf32, #tpu.memory_space<hbm>>
    tpu.enqueue_indirect_dma source(%dma_start3A_4 : memref<1024x256xf32, #tpu.memory_space<hbm>>) target(%arg6 : memref<32x256xf32, #tpu.memory_space<vmem>>) offsets(%arg5 : memref<32xi32, #tpu.memory_space<vmem>>) semaphore(%arg7 : memref<!tpu.dma_semaphore, #tpu.memory_space<semaphore_mem>>)
    %dma_wait3A = arith.constant 0 : i32
    %dma_wait3A_5 = arith.constant 0 : i32
    %dma_wait3A_6 = tpu.memref_slice %arg2[%dma_wait3A, %dma_wait3A_5] : memref<1024x256xf32, #tpu.memory_space<hbm>> -> memref<1024x256xf32, #tpu.memory_space<hbm>>
    tpu.wait_indirect_dma semaphore(%arg7 : memref<!tpu.dma_semaphore, #tpu.memory_space<semaphore_mem>>) src(%dma_wait3A_6 : memref<1024x256xf32, #tpu.memory_space<hbm>>) dst(%arg6 : memref<32x256xf32, #tpu.memory_space<vmem>>)
    "tpu.region"() ({
      %run_scoped3A = tpu.sem_alloc : memref<!tpu.dma_semaphore, #tpu.memory_space<semaphore_mem>>
      %dma_start3A_7 = arith.constant 0 : i32
      %dma_start3A_8 = tpu.memref_slice %arg4[%mul3A_2, %dma_start3A_7] : memref<1024x256xf32, #tpu.memory_space<hbm>> -> memref<32x256xf32, #tpu.memory_space<hbm>>
      %dma_start3A_9 = arith.constant 0 : i32
      %dma_start3A_10 = tpu.memref_slice %arg4[%mul3A_2, %dma_start3A_9] : memref<1024x256xf32, #tpu.memory_space<hbm>> -> memref<32x256xf32, #tpu.memory_space<hbm>>
      tpu.enqueue_dma source(%arg6 : memref<32x256xf32, #tpu.memory_space<vmem>>) target(%dma_start3A_10 : memref<32x256xf32, #tpu.memory_space<hbm>>) target_semaphore(%run_scoped3A : memref<!tpu.dma_semaphore, #tpu.memory_space<semaphore_mem>>)
      %dma_wait3A_11 = arith.constant 0 : i32
      %dma_wait3A_12 = tpu.memref_slice %arg4[%mul3A_2, %dma_wait3A_11] : memref<1024x256xf32, #tpu.memory_space<hbm>> -> memref<32x256xf32, #tpu.memory_space<hbm>>
      %dma_wait3A_13 = arith.constant 0 : i32
      %dma_wait3A_14 = tpu.memref_slice %arg4[%mul3A_2, %dma_wait3A_13] : memref<1024x256xf32, #tpu.memory_space<hbm>> -> memref<32x256xf32, #tpu.memory_space<hbm>>
      tpu.wait_dma2 semaphore(%run_scoped3A : memref<!tpu.dma_semaphore, #tpu.memory_space<semaphore_mem>>) src(%arg6 : memref<32x256xf32, #tpu.memory_space<vmem>>) dst(%dma_wait3A_14 : memref<32x256xf32, #tpu.memory_space<hbm>>)
      tpu.yield
    }) : () -> ()
    return
  }
}

module attributes {stable_mosaic.version = 14 : i64} {
  func.func @_encode_body(%arg0: i32, %arg1: memref<1024x768xf32, #tpu.memory_space<vmem>>, %arg2: memref<768x64xf32, #tpu.memory_space<vmem>>, %arg3: memref<1x64xf32, #tpu.memory_space<vmem>>, %arg4: memref<64x256xf32, #tpu.memory_space<vmem>>, %arg5: memref<1x256xf32, #tpu.memory_space<vmem>>, %arg6: memref<1024x256xf32, #tpu.memory_space<vmem>>, %arg7: memref<1024x256xf32, #tpu.memory_space<vmem>>, %arg8: memref<1024x1xi32, #tpu.memory_space<vmem>>) attributes {dimension_semantics = [#tpu.dimension_semantics<arbitrary>], iteration_bounds = array<i64: 1>, scalar_prefetch = 0 : i64, scratch_operands = 0 : i64, tpu.core_type = #tpu.core_type<tc>, window_params = [{pipeline_mode = #tpu.pipeline_mode<synchronous>, transform_indices = @transform_0, window_bounds = array<i64: 1024, 768>}, {pipeline_mode = #tpu.pipeline_mode<synchronous>, transform_indices = @transform_1, window_bounds = array<i64: 768, 64>}, {pipeline_mode = #tpu.pipeline_mode<synchronous>, transform_indices = @transform_2, window_bounds = array<i64: 1, 64>}, {pipeline_mode = #tpu.pipeline_mode<synchronous>, transform_indices = @transform_3, window_bounds = array<i64: 64, 256>}, {pipeline_mode = #tpu.pipeline_mode<synchronous>, transform_indices = @transform_4, window_bounds = array<i64: 1, 256>}, {pipeline_mode = #tpu.pipeline_mode<synchronous>, transform_indices = @transform_5, window_bounds = array<i64: 1024, 256>}, {pipeline_mode = #tpu.pipeline_mode<synchronous>, transform_indices = @transform_6, window_bounds = array<i64: 1024, 256>}, {pipeline_mode = #tpu.pipeline_mode<synchronous>, transform_indices = @transform_7, window_bounds = array<i64: 1024, 1>}]} {
    %get3A = arith.constant 0 : index
    %get3A_0 = arith.constant 0 : index
    %get3A_1 = vector.load %arg1[%get3A, %get3A_0] : memref<1024x768xf32, #tpu.memory_space<vmem>>, vector<1024x768xf32>
    %get3A_2 = arith.constant 0 : index
    %get3A_3 = arith.constant 0 : index
    %get3A_4 = vector.load %arg2[%get3A_2, %get3A_3] : memref<768x64xf32, #tpu.memory_space<vmem>>, vector<768x64xf32>
    %dot_general3A = arith.constant dense<0.000000e+00> : vector<1024x64xf32>
    %dot_general3A_5 = tpu.matmul %get3A_1, %get3A_4, %dot_general3A {dimension_numbers = #tpu.dot_dimension_numbers<[1], [0], [0], [1], [0, 0, 1, 1], [], []>, transpose_lhs_hint = false} : vector<1024x768xf32>, vector<768x64xf32>, vector<1024x64xf32> -> vector<1024x64xf32>
    %get3A_6 = arith.constant 0 : index
    %get3A_7 = arith.constant 0 : index
    %get3A_8 = vector.load %arg3[%get3A_6, %get3A_7] : memref<1x64xf32, #tpu.memory_space<vmem>>, vector<1x64xf32>
    %add3A = vector.broadcast %get3A_8 : vector<1x64xf32> to vector<1024x64xf32>
    %add3A_9 = arith.addf %dot_general3A_5, %add3A : vector<1024x64xf32>
    %max3A = arith.constant 0.000000e+00 : f32
    %max3A_10 = vector.broadcast %max3A : f32 to vector<1024x64xf32>
    %max3A_11 = arith.maximumf %add3A_9, %max3A_10 : vector<1024x64xf32>
    %get3A_12 = arith.constant 0 : index
    %get3A_13 = arith.constant 0 : index
    %get3A_14 = vector.load %arg4[%get3A_12, %get3A_13] : memref<64x256xf32, #tpu.memory_space<vmem>>, vector<64x256xf32>
    %dot_general3A_15 = arith.constant dense<0.000000e+00> : vector<1024x256xf32>
    %dot_general3A_16 = tpu.matmul %max3A_11, %get3A_14, %dot_general3A_15 {dimension_numbers = #tpu.dot_dimension_numbers<[1], [0], [0], [1], [0, 0, 1, 1], [], []>, transpose_lhs_hint = false} : vector<1024x64xf32>, vector<64x256xf32>, vector<1024x256xf32> -> vector<1024x256xf32>
    %get3A_17 = arith.constant 0 : index
    %get3A_18 = arith.constant 0 : index
    %get3A_19 = vector.load %arg5[%get3A_17, %get3A_18] : memref<1x256xf32, #tpu.memory_space<vmem>>, vector<1x256xf32>
    %add3A_20 = vector.broadcast %get3A_19 : vector<1x256xf32> to vector<1024x256xf32>
    %add3A_21 = arith.addf %dot_general3A_16, %add3A_20 : vector<1024x256xf32>
    %swap3A = arith.constant 0 : index
    %swap3A_22 = arith.constant 0 : index
    %swap3A_23 = vector.load %arg7[%swap3A, %swap3A_22] : memref<1024x256xf32, #tpu.memory_space<vmem>>, vector<1024x256xf32>
    tpu.vector_store %arg7[%swap3A, %swap3A_22], %add3A_21 {strides = array<i32>} : memref<1024x256xf32, #tpu.memory_space<vmem>>, vector<1024x256xf32>,
    %get3A_24 = arith.constant 0 : index
    %get3A_25 = arith.constant 0 : index
    %get3A_26 = vector.load %arg6[%get3A_24, %get3A_25] : memref<1024x256xf32, #tpu.memory_space<vmem>>, vector<1024x256xf32>
    %dot_general3A_27 = arith.constant dense<0.000000e+00> : vector<1024x1024xf32>
    %dot_general3A_28 = tpu.matmul %add3A_21, %get3A_26, %dot_general3A_27 {dimension_numbers = #tpu.dot_dimension_numbers<[1], [1], [0], [0], [0, 0, 1, 0], [], []>, precision = #tpu.contract_precision<fp32>, transpose_lhs_hint = false} : vector<1024x256xf32>, vector<1024x256xf32>, vector<1024x1024xf32> -> vector<1024x1024xf32>
    %broadcast_in_dim3A = arith.constant 1.000000e+00 : f32
    %broadcast_in_dim3A_29 = vector.broadcast %broadcast_in_dim3A : f32 to vector<1x256xf32>
    %mul3A = arith.mulf %get3A_26, %get3A_26 : vector<1024x256xf32>
    %dot_general3A_30 = arith.constant dense<0.000000e+00> : vector<1x1024xf32>
    %dot_general3A_31 = tpu.matmul %broadcast_in_dim3A_29, %mul3A, %dot_general3A_30 {dimension_numbers = #tpu.dot_dimension_numbers<[1], [1], [0], [0], [0, 0, 1, 0], [], []>, precision = #tpu.contract_precision<fp32>, transpose_lhs_hint = false} : vector<1x256xf32>, vector<1024x256xf32>, vector<1x1024xf32> -> vector<1x1024xf32>
    %mul3A_32 = arith.constant 2.000000e+00 : f32
    %mul3A_33 = vector.broadcast %mul3A_32 : f32 to vector<1024x1024xf32>
    %mul3A_34 = arith.mulf %mul3A_33, %dot_general3A_28 : vector<1024x1024xf32>
    %sub3A = vector.broadcast %dot_general3A_31 : vector<1x1024xf32> to vector<1024x1024xf32>
    %sub3A_35 = arith.subf %sub3A, %mul3A_34 : vector<1024x1024xf32>
    %iota3A = tpu.iota {dimensions = array<i32: 1>} : vector<1024x1024xi32>
    %reduce_min3A = arith.constant dense<0x7F800000> : vector<1024xf32>
    %reduce_min3A_36 = vector.multi_reduction <minimumf>, %sub3A_35, %reduce_min3A [1] : vector<1024x1024xf32> to vector<1024xf32>
    %broadcast_in_dim3A_37 = vector.shape_cast %reduce_min3A_36 : vector<1024xf32> to vector<1024x1xf32>
    %le3A = vector.broadcast %broadcast_in_dim3A_37 : vector<1024x1xf32> to vector<1024x1024xf32>
    %le3A_38 = arith.cmpf ole, %sub3A_35, %le3A : vector<1024x1024xf32>
    %jit3A = arith.constant 1024 : i32
    %broadcast_in_dim3A_39 = vector.broadcast %jit3A : i32 to vector<1024x1024xi32>
    %select_n3A = arith.select %le3A_38, %iota3A, %broadcast_in_dim3A_39 : vector<1024x1024xi1>, vector<1024x1024xi32>
    %reduce_min3A_40 = arith.constant dense<2147483647> : vector<1024xi32>
    %reduce_min3A_41 = vector.multi_reduction <minsi>, %select_n3A, %reduce_min3A_40 [1] : vector<1024x1024xi32> to vector<1024xi32>
    %broadcast_in_dim3A_42 = vector.shape_cast %reduce_min3A_41 : vector<1024xi32> to vector<1024x1xi32>
    %swap3A_43 = arith.constant 0 : index
    %swap3A_44 = arith.constant 0 : index
    %swap3A_45 = vector.load %arg8[%swap3A_43, %swap3A_44] : memref<1024x1xi32, #tpu.memory_space<vmem>>, vector<1024x1xi32>
    tpu.vector_store %arg8[%swap3A_43, %swap3A_44], %broadcast_in_dim3A_42 {strides = array<i32>} : memref<1024x1xi32, #tpu.memory_space<vmem>>, vector<1024x1xi32>,
    return
  }
  func.func @transform_0(%arg0: i32) -> (i32, i32) {
    %c0_i32 = arith.constant 0 : i32
    %c0_i32_0 = arith.constant 0 : i32
    %c0_i32_1 = arith.constant 0 : i32
    return %c0_i32, %c0_i32_0 : i32, i32
  }
  func.func @transform_1(%arg0: i32) -> (i32, i32) {
    %c0_i32 = arith.constant 0 : i32
    %c0_i32_0 = arith.constant 0 : i32
    %c0_i32_1 = arith.constant 0 : i32
    return %c0_i32, %c0_i32_0 : i32, i32
  }
  func.func @transform_2(%arg0: i32) -> (i32, i32) {
    %c0_i32 = arith.constant 0 : i32
    %c0_i32_0 = arith.constant 0 : i32
    %c0_i32_1 = arith.constant 0 : i32
    return %c0_i32, %c0_i32_0 : i32, i32
  }
  func.func @transform_3(%arg0: i32) -> (i32, i32) {
    %c0_i32 = arith.constant 0 : i32
    %c0_i32_0 = arith.constant 0 : i32
    %c0_i32_1 = arith.constant 0 : i32
    return %c0_i32, %c0_i32_0 : i32, i32
  }
  func.func @transform_4(%arg0: i32) -> (i32, i32) {
    %c0_i32 = arith.constant 0 : i32
    %c0_i32_0 = arith.constant 0 : i32
    %c0_i32_1 = arith.constant 0 : i32
    return %c0_i32, %c0_i32_0 : i32, i32
  }
  func.func @transform_5(%arg0: i32) -> (i32, i32) {
    %c0_i32 = arith.constant 0 : i32
    %c0_i32_0 = arith.constant 0 : i32
    %c0_i32_1 = arith.constant 0 : i32
    return %c0_i32, %c0_i32_0 : i32, i32
  }
  func.func @transform_6(%arg0: i32) -> (i32, i32) {
    %c0_i32 = arith.constant 0 : i32
    %c0_i32_0 = arith.constant 0 : i32
    %c0_i32_1 = arith.constant 0 : i32
    return %c0_i32, %c0_i32_0 : i32, i32
  }
  func.func @transform_7(%arg0: i32) -> (i32, i32) {
    %c0_i32 = arith.constant 0 : i32
    %c0_i32_0 = arith.constant 0 : i32
    %c0_i32_1 = arith.constant 0 : i32
    return %c0_i32, %c0_i32_0 : i32, i32
  }
}

module attributes {stable_mosaic.version = 14 : i64} {
  func.func @_decode_body(%arg0: i32, %arg1: memref<1024x256xf32, #tpu.memory_space<vmem>>, %arg2: memref<256x64xf32, #tpu.memory_space<vmem>>, %arg3: memref<1x64xf32, #tpu.memory_space<vmem>>, %arg4: memref<64x768xf32, #tpu.memory_space<vmem>>, %arg5: memref<1x768xf32, #tpu.memory_space<vmem>>, %arg6: memref<1024x768xf32, #tpu.memory_space<vmem>>) attributes {dimension_semantics = [#tpu.dimension_semantics<arbitrary>], iteration_bounds = array<i64: 1>, scalar_prefetch = 0 : i64, scratch_operands = 0 : i64, tpu.core_type = #tpu.core_type<tc>, window_params = [{pipeline_mode = #tpu.pipeline_mode<synchronous>, transform_indices = @transform_0, window_bounds = array<i64: 1024, 256>}, {pipeline_mode = #tpu.pipeline_mode<synchronous>, transform_indices = @transform_1, window_bounds = array<i64: 256, 64>}, {pipeline_mode = #tpu.pipeline_mode<synchronous>, transform_indices = @transform_2, window_bounds = array<i64: 1, 64>}, {pipeline_mode = #tpu.pipeline_mode<synchronous>, transform_indices = @transform_3, window_bounds = array<i64: 64, 768>}, {pipeline_mode = #tpu.pipeline_mode<synchronous>, transform_indices = @transform_4, window_bounds = array<i64: 1, 768>}, {pipeline_mode = #tpu.pipeline_mode<synchronous>, transform_indices = @transform_5, window_bounds = array<i64: 1024, 768>}]} {
    %get3A = arith.constant 0 : index
    %get3A_0 = arith.constant 0 : index
    %get3A_1 = vector.load %arg1[%get3A, %get3A_0] : memref<1024x256xf32, #tpu.memory_space<vmem>>, vector<1024x256xf32>
    %get3A_2 = arith.constant 0 : index
    %get3A_3 = arith.constant 0 : index
    %get3A_4 = vector.load %arg2[%get3A_2, %get3A_3] : memref<256x64xf32, #tpu.memory_space<vmem>>, vector<256x64xf32>
    %dot_general3A = arith.constant dense<0.000000e+00> : vector<1024x64xf32>
    %dot_general3A_5 = tpu.matmul %get3A_1, %get3A_4, %dot_general3A {dimension_numbers = #tpu.dot_dimension_numbers<[1], [0], [0], [1], [0, 0, 1, 1], [], []>, transpose_lhs_hint = false} : vector<1024x256xf32>, vector<256x64xf32>, vector<1024x64xf32> -> vector<1024x64xf32>
    %get3A_6 = arith.constant 0 : index
    %get3A_7 = arith.constant 0 : index
    %get3A_8 = vector.load %arg3[%get3A_6, %get3A_7] : memref<1x64xf32, #tpu.memory_space<vmem>>, vector<1x64xf32>
    %add3A = vector.broadcast %get3A_8 : vector<1x64xf32> to vector<1024x64xf32>
    %add3A_9 = arith.addf %dot_general3A_5, %add3A : vector<1024x64xf32>
    %max3A = arith.constant 0.000000e+00 : f32
    %max3A_10 = vector.broadcast %max3A : f32 to vector<1024x64xf32>
    %max3A_11 = arith.maximumf %add3A_9, %max3A_10 : vector<1024x64xf32>
    %get3A_12 = arith.constant 0 : index
    %get3A_13 = arith.constant 0 : index
    %get3A_14 = vector.load %arg4[%get3A_12, %get3A_13] : memref<64x768xf32, #tpu.memory_space<vmem>>, vector<64x768xf32>
    %dot_general3A_15 = arith.constant dense<0.000000e+00> : vector<1024x768xf32>
    %dot_general3A_16 = tpu.matmul %max3A_11, %get3A_14, %dot_general3A_15 {dimension_numbers = #tpu.dot_dimension_numbers<[1], [0], [0], [1], [0, 0, 1, 1], [], []>, transpose_lhs_hint = false} : vector<1024x64xf32>, vector<64x768xf32>, vector<1024x768xf32> -> vector<1024x768xf32>
    %get3A_17 = arith.constant 0 : index
    %get3A_18 = arith.constant 0 : index
    %get3A_19 = vector.load %arg5[%get3A_17, %get3A_18] : memref<1x768xf32, #tpu.memory_space<vmem>>, vector<1x768xf32>
    %add3A_20 = vector.broadcast %get3A_19 : vector<1x768xf32> to vector<1024x768xf32>
    %add3A_21 = arith.addf %dot_general3A_16, %add3A_20 : vector<1024x768xf32>
    %swap3A = arith.constant 0 : index
    %swap3A_22 = arith.constant 0 : index
    %swap3A_23 = vector.load %arg6[%swap3A, %swap3A_22] : memref<1024x768xf32, #tpu.memory_space<vmem>>, vector<1024x768xf32>
    tpu.vector_store %arg6[%swap3A, %swap3A_22], %add3A_21 {strides = array<i32>} : memref<1024x768xf32, #tpu.memory_space<vmem>>, vector<1024x768xf32>,
    return
  }
  func.func @transform_0(%arg0: i32) -> (i32, i32) {
    %c0_i32 = arith.constant 0 : i32
    %c0_i32_0 = arith.constant 0 : i32
    %c0_i32_1 = arith.constant 0 : i32
    return %c0_i32, %c0_i32_0 : i32, i32
  }
  func.func @transform_1(%arg0: i32) -> (i32, i32) {
    %c0_i32 = arith.constant 0 : i32
    %c0_i32_0 = arith.constant 0 : i32
    %c0_i32_1 = arith.constant 0 : i32
    return %c0_i32, %c0_i32_0 : i32, i32
  }
  func.func @transform_2(%arg0: i32) -> (i32, i32) {
    %c0_i32 = arith.constant 0 : i32
    %c0_i32_0 = arith.constant 0 : i32
    %c0_i32_1 = arith.constant 0 : i32
    return %c0_i32, %c0_i32_0 : i32, i32
  }
  func.func @transform_3(%arg0: i32) -> (i32, i32) {
    %c0_i32 = arith.constant 0 : i32
    %c0_i32_0 = arith.constant 0 : i32
    %c0_i32_1 = arith.constant 0 : i32
    return %c0_i32, %c0_i32_0 : i32, i32
  }
  func.func @transform_4(%arg0: i32) -> (i32, i32) {
    %c0_i32 = arith.constant 0 : i32
    %c0_i32_0 = arith.constant 0 : i32
    %c0_i32_1 = arith.constant 0 : i32
    return %c0_i32, %c0_i32_0 : i32, i32
  }
  func.func @transform_5(%arg0: i32) -> (i32, i32) {
    %c0_i32 = arith.constant 0 : i32
    %c0_i32_0 = arith.constant 0 : i32
    %c0_i32_1 = arith.constant 0 : i32
    return %c0_i32, %c0_i32_0 : i32, i32
  }
}

</mosaic_0001>

<sc_bundles>
// kernel: kernel.5.cloned.1.call-start
scs
__scs_entry_jumppad:
0x0: {  	(pc) =	sbr.rel $0x88, $3  }
0x1: {  	(tag) =	ssettag $0x0;
	lr =	simm.s32 $0x1  }
0x2: {  	[smem:$0x3F97] =	sst lr;
	_ =	strace $0xD0000000  }
0x3: {  	_ = 	snop  }
0x4: {  	_ = 	snop  }
0x5: {  	_ = 	snop  }
0x6: {  	_ = 	snop  }
0x7: {  	_ = 	snop  }
__scs_overlays_trampoline_lowered:
0x8: {  	[smem:$0x3FA6] =	sst s0  }
0x9: {  	[smem:$0x3FA7] =	sst s1  }
0xa: {  	[smem:$0x3FA8] =	sst s2  }
0xb: {  	[smem:$0x3FA9] =	sst s3  }
0xc: {  	[smem:$0x3FAA] =	sst s4  }
0xd: {  	[smem:$0x3FAB] =	sst s5  }
0xe: {  	[smem:$0x3FAC] =	sst s6  }
0xf: {  	[smem:$0x3FAD] =	sst s7  }
0x10: {  	[smem:$0x3FAE] =	sst s8  }
0x11: {  	[smem:$0x3FAF] =	sst s9;
	s0 =	simm.s32 @!p0 $0x0  }
0x12: {  	s1 =	sld [smem:$0x3F95];
	s0 =	simm.s32 @p0 $0x1  }
0x13: {  	[smem:$0x3FB0] =	sst s0;
	s0 =	simm.s32 @!p1 $0x0  }
0x14: {  	s2 =	sld [smem:$0x3F94];
	s0 =	simm.s32 @p1 $0x1  }
0x15: {  	[smem:$0x3FB1] =	sst s0;
	s0 =	simm.s32 @!p2 $0x0  }
0x16: {  	s3 =	sld [smem:$0x3FDB];
	s0 =	simm.s32 @p2 $0x1  }
0x17: {  	s4 =	simm.s32 $0x1BF5;
	[smem:$0x3FB3] =	sst s0  }
0x18: {  	s0 =	sld [smem:$0x3F96];
	_ =	swait.ge [sflag:s4], $0x0  }
0x19: {  	s7 =	sld [smem:$0x3F97]  }
0x1a: {  	s8 =	sadd.s32 $0xFFFFE003, lr  }
0x1b: {  	s9 =	sadd.s32 $0xFFFFFEF7, lr;
	s5 =	simm.s32 $0xFFFFFFFF;
	p2 =	slt.u32 s8, $0xFFFFF086  }
0x1c: {  	p1 =	slt.u32 s9, $0xF7A;
	s5 =	simm.s32 @!p2 $0x0  }
0x1d: {  	s5 =	simm.s32 @p1 $0x1;
	p0 =	seq.s32 s7, s2  }
0x1e: {  	s7 =	smul.u32 @!p0 $0xF7A, s2;
	p2 =	seq.s32 @!p0 s5, $0x0  }
0x1f: {  	s9 =	smul.u32 $0xF7A, s1;
	s8 =	simm.s32 @!p0 $0x1BF5;
	p2 =	por !p2, p0  }
0x20: {  	[sflag:s8] =	ssyncset.s32 @!p0 $0xFFFFF086;
	s6 =	sadd.s32 @!p0 s3, s7;
	s7 =	simm.s32 @!p0 $0x108  }
0x21: {  	s3 =	sadd.s32 s3, s9;
	s6 =	sadd.s32 @!p0 $0x88, s6;
	s7 =	simm.s32 @p2 $0x1082  }
0x22: {  	[simem:s7], [sflag:s8] =	dma.local @!p0 [hbm:s6], $0xF7A  }
0x23: {  	s9 =	sor.u32 $0xD0000000, s2;
	s6 =	simm.s32 $0x108;
	_ =	swait.ge @!p0 [sflag:s8], $0x0  }
0x24: {  	s3 =	sadd.s32 $0x88, s3;
	s6 =	simm.s32 @!p1 $0x1082;
	[sflag:s4] =	ssyncset.s32 $0xFFFFF086  }
0x25: {  	[simem:s6], [sflag:s4] =	dma.local [hbm:s3], $0xF7A  }
0x26: {  	[smem:$0x3F97] =	sst s1;
	(tag) =	ssettag s2;
	_ =	strace s9  }
0x27: {  	s1 =	sld [smem:$0x3FA7]  }
0x28: {  	s2 =	sld [smem:$0x3FA8]  }
0x29: {  	s4 =	sld [smem:$0x3FAA]  }
0x2a: {  	p0 =	seq.s32 s5, $0x0;
	s5 =	sld [smem:$0x3FAB]  }
0x2b: {  	s6 =	sld [smem:$0x3FAC]  }
0x2c: {  	s7 =	sld [smem:$0x3FAD]  }
0x2d: {  	s3 =	simm.s32 $0x108;
	s8 =	sld [smem:$0x3FAE]  }
0x2e: {  	s3 =	simm.s32 @!p0 $0x1082;
	s9 =	sld [smem:$0x3FAF]  }
0x2f: {  	lr =	sadd.s32 s0, s3;
	s0 =	sld [smem:$0x3FA6]  }
0x30: {  	s3 =	sld [smem:$0x3FA9]  }
0x31: {  	[smem:$0x3FB2] =	sst s10  }
0x32: {  	s10 =	sld [smem:$0x3FB0];
	_ =	sdelay $0x3  }
0x33: {  	p0 =	seq.s32 s10, $0x1;
	s10 =	sld [smem:$0x3FB2];
	_ =	sdelay $0x3  }
0x34: {  	[smem:$0x3FB2] =	sst s10  }
0x35: {  	s10 =	sld [smem:$0x3FB1];
	_ =	sdelay $0x3  }
0x36: {  	p1 =	seq.s32 s10, $0x1;
	s10 =	sld [smem:$0x3FB2];
	_ =	sdelay $0x3  }
0x37: {  	[smem:$0x3FB2] =	sst s10  }
0x38: {  	s10 =	sld [smem:$0x3FB3]  }
0x39: {  	_ = 	snop;
	(pc) =	sbr.ind lr, $3  }
0x3a: {  	_ = 	snop  }
0x3b: {  	_ = 	snop  }
0x3c: {  	p2 =	seq.s32 s10, $0x1;
	s10 =	sld [smem:$0x3FB2]  }
0x3d: {  	_ =	shalt  }
0x3e: {  	_ =	shalt  }
0x3f: {  	_ =	shalt  }
0x40: {  	_ =	shalt  }
0x41: {  	_ =	shalt  }
0x42: {  	_ =	shalt  }
0x43: {  	_ =	shalt  }
0x44: {  	_ =	shalt  }
0x45: {  	_ =	shalt  }
0x46: {  	_ =	shalt  }
0x47: {  	_ =	shalt  }
0x48: {  	_ =	shalt  }
0x49: {  	_ =	shalt  }
0x4a: {  	_ =	shalt  }
0x4b: {  	_ =	shalt  }
0x4c: {  	_ =	shalt  }
0x4d: {  	_ =	shalt  }
0x4e: {  	_ =	shalt  }
0x4f: {  	_ =	shalt  }
0x50: {  	_ =	shalt  }
0x51: {  	_ =	shalt  }
0x52: {  	_ =	shalt  }
0x53: {  	_ =	shalt  }
0x54: {  	_ =	shalt  }
0x55: {  	_ =	shalt  }
0x56: {  	_ =	shalt  }
0x57: {  	_ =	shalt  }
0x58: {  	_ =	shalt  }
0x59: {  	_ =	shalt  }
0x5a: {  	_ =	shalt  }
0x5b: {  	_ =	shalt  }
0x5c: {  	_ =	shalt  }
0x5d: {  	_ =	shalt  }
0x5e: {  	_ =	shalt  }
0x5f: {  	_ =	shalt  }
0x60: {  	_ =	shalt  }
0x61: {  	_ =	shalt  }
0x62: {  	_ =	shalt  }
0x63: {  	_ =	shalt  }
0x64: {  	_ =	shalt  }
0x65: {  	_ =	shalt  }
0x66: {  	_ =	shalt  }
0x67: {  	_ =	shalt  }
0x68: {  	_ =	shalt  }
0x69: {  	_ =	shalt  }
0x6a: {  	_ =	shalt  }
0x6b: {  	_ =	shalt  }
0x6c: {  	_ =	shalt  }
0x6d: {  	_ =	shalt  }
0x6e: {  	_ =	shalt  }
0x6f: {  	_ =	shalt  }
0x70: {  	_ =	shalt  }
0x71: {  	_ =	shalt  }
0x72: {  	_ =	shalt  }
0x73: {  	_ =	shalt  }
0x74: {  	_ =	shalt  }
0x75: {  	_ =	shalt  }
0x76: {  	_ =	shalt  }
0x77: {  	_ =	shalt  }
0x78: {  	_ =	shalt  }
0x79: {  	_ =	shalt  }
0x7a: {  	_ =	shalt  }
0x7b: {  	_ =	shalt  }
0x7c: {  	_ =	shalt  }
0x7d: {  	_ =	shalt  }
0x7e: {  	_ =	shalt  }
0x7f: {  	_ =	shalt  }
0x80: {  	_ =	shalt  }
0x81: {  	_ =	shalt  }
0x82: {  	_ =	shalt  }
0x83: {  	_ =	shalt  }
0x84: {  	_ =	shalt  }
0x85: {  	_ =	shalt  }
0x86: {  	_ =	shalt  }
0x87: {  	_ =	shalt  }
.Lfunc_end0:
.L_simem_size_0:
called_computation_lowered:
.L_overlay_start_0:
0x88: {  	s2 =	sld [smem:$0x3FD9]  }
0x89: {  	s3 =	sld [smem:$0x3FFE];
	_ =	sdelay $0x1  }
0x8a: {  	s1 =	srdreg.scid  }
0x8b: {  	s0 =	sand.u32 $0x1, s1  }
0x8c: {  	s15 =	sshll.u32 s0, $0xA;
	s2 =	sadd.s32 s3, s2  }
0x8d: {  	s2 =	sadd.s32 s2, s15  }
0x8e: {  	[smem:$0x3FBE] =	sst s2  }
0x8f: {  	_ = 	snop  }
0x90: {  	s2 =	sld [smem:$0x3FD0];
	_ =	sdelay $0x2  }
0x91: {  	s4 =	simm.s32 $0xA;
	s5 =	simm.s32 $0x10;
	s16 =	sld [smem:$0x3FC4]  }
0x92: {  	[smem:s5], [sflag:s4] =	dma.local [hbm:s2], $0x1  }
0x93: {  	_ =	swait.eq [sflag:s4], $0x1  }
0x94: {  	[sflag:s4] =	ssyncset.done $0x0  }
0x95: {  	s17 =	sld [smem:$0x10];
	[sflag:s4] =	ssyncadd.s32 $0xFFFFFFFF  }
0x96: {  	s18 =	sld [smem:$0x12];
	(tm) =	ssettm $0x1  }
0x97: {  	s19 =	sld [smem:$0x3FFB];
	_ =	sdelay $0x3  }
0x98: {  	_ =	strace s19  }
0x99: {  	s5 =	sld [smem:$0x3FFC];
	_ =	sdelay $0x3  }
0x9a: {  	_ =	strace s5  }
0x9b: {  	s5 =	sld [smem:$0x3FFD];
	_ =	sdelay $0x3  }
0x9c: {  	_ =	strace s5  }
0x9d: {  	_ =	strace $0x8FFFFFFF  }
0x9e: {  	s20 =	sld [smem:$0x3FDB];
	_ =	sdelay $0x1  }
0x9f: {  	s6 =	simm.s32 $_scs_section_size  }
0xa0: {  	s7 =	simm.s32 $_size__tile_overlayer_lowered;
	s8 =	simm.s32 $_tile_overlayer_lowered  }
0xa1: {  	s23 =	simm.s32 $0x1BFF;
	s22 =	sshll.u32 s8, $0x1;
	s5 =	sadd.s32 s6, s20  }
0xa2: {  	s9 =	simm.s32 $0x0;
	s21 =	sshll.u32 s7, $0x1;
	s7 =	sadd.s32 s22, s5  }
0xa3: {  	[timem:s9], [sflag:s23] =	dma.local [hbm:s7], s21  }
0xa4: {  	_ =	swait.ge [sflag:s23], s21  }
0xa5: {  	s6 =	ssub.s32 $0x0, s21;
	[sflag:s23] =	ssyncset.done $0x0  }
0xa6: {  	[sflag:s23] =	ssyncadd.s32 s6;
	_ =	sdelay $0x1  }
0xa7: {  	s24 =	simm.s32 $0x1B8B  }
0xa8: {  	_ =	swait.ge [sflag:s24], $0x1  }
0xa9: {  	[sflag:s24] =	ssyncset.done $0x0  }
0xaa: {  	s25 =	simm.s32 $0x1B8E;
	[sflag:s24] =	ssyncadd.s32 $0xFFFFFFFF  }
0xab: {  	s26 =	simm.s32 $execute0_lowered;
	[smem:$0x3FD2] =	sst s25  }
0xac: {  	s6 =	sshll.u32 s26, $0x1;
	_ =	strace $0x80000046;
	[dreg:$0x1] =	wrdreg $0xFFFFFFFF  }
0xad: {  	s28 =	simm.s32 $_size_execute0_lowered;
	s5 =	sadd.s32 s5, s6;
	[dreg:$0x0] =	wrdreg $0x0  }
0xae: {  	s6 =	sshll.u32 s28, $0x1;
	[dreg:$0x2] =	wrdreg s5  }
0xaf: {  	[dreg:$0x3] =	wrdreg s6  }
0xb0: {  	[dreg:$0x4] =	wrdreg $0xC0  }
0xb1: {  	_ =	task [dreg:s9], $0x5FFFF  }
0xb2: {  	[dreg:$0x1] =	wrdreg $0xFFFFFFFF  }
0xb3: {  	[dreg:$0x0] =	wrdreg $0x60  }
0xb4: {  	[dreg:$0x2] =	wrdreg s16  }
0xb5: {  	[dreg:$0x3] =	wrdreg s17  }
0xb6: {  	[dreg:$0x4] =	wrdreg s18  }
0xb7: {  	[dreg:$0x5] =	wrdreg $0x9  }
0xb8: {  	_ =	task.clear_ibuf [dreg:s9], $0x6FFFF;
	_ =	strace $0x90000046  }
0xb9: {  	s29 =	simm.s32 $0x9;
	_ =	strace $0x80000048  }
0xba: {  	_ =	swait.ge [sflag:s29], $0x1  }
0xbb: {  	[sflag:s29] =	ssyncadd.s32 $0xFFFFFFFF  }
0xbc: {  	_ =	strace $0x90000048  }
0xbd: {  	_ =	sfence  }
0xbe: {  	s30 =	sld [smem:$0x0];
	_ =	sdelay $0x2  }
0xbf: {  	s31 =	sshll.u32 s1, $0xD;
	s1 =	sshrl.u32 s1, $0x2  }
0xc0: {  	s3 =	sand.u32 $0x4000, s31;
	s1 =	sadd.s32 s1, s30  }
0xc1: {  	s0 =	sor.u32 s3, s0;
	s1 =	sshll.u32 s1, $0x11  }
0xc2: {  	s0 =	sor.u32 s1, s0  }
0xc3: {  	s0 =	sadd.s32 $0x8F2B, s0  }
0xc4: {  	[sflag:s0] =	ssyncadd.remote.s32 $0x1  }
0xc5: {  	_ =	sfence.sel $0xFFFF  }
0xc6: {  	[dreg:$0x0] =	wrdreg $0xFFFFFFFF;
	(pc) =	sbr.abs _section_cstart, $3  }
0xc7: {  	[dreg:$0x1] =	wrdreg $0xFFFFFFFF  }
0xc8: {  	_ =	task.clear_ibuf [dreg:s9], $0x2FFFF;
	_ =	strace $0x9FFFFFFF  }
0xc9: {  	(tm) =	ssettm $0x7FFFFFFF  }
tec
execute0_lowered:
.L_overlay_start_1:
0x0: {  	(tag) =	ssettag $0x1  }
0x1: {  	s1 =	rddreg [dreg:$0x0]  }
0x2: {  	s4 =	rddreg [dreg:$0x1]  }
0x3: {  	s5 =	rddreg [dreg:$0x2]  }
0x4: {  	s0 =	rddreg [dreg:$0x3];
	s3 =	simm.s32 $0x0;
	s6 =	srdreg.scid  }
0x5: {  	s2 =	stileid.u32;
	s10 =	simm.s32 $0x1080;
	s11 =	simm.s32 $0x1880  }
0x6: {  	s12 =	simm.s32 $0x1;
	[smem:$0x7FF] =	sst s3;
	s6 =	sand.u32 $0x1, s6  }
0x7: {  	s8 =	sshll.u32 s2, $0x6;
	s7 =	ssub.s32 $0x2, s6;
	s6 =	sshll.u32 s6, $0x5  }
0x8: {  	_ =	strace $0x80000047;
	s9 =	sshrl.u32 s7, $0x1;
	s6 =	sor.u32 s6, s8  }
0x9: {  	v2 =	vlaneseq.u32;
	s7 =	ssub.s32 s7, s9;
	s8 =	sshrl.u32 s6, $0x3;
	s6 =	sshll.u32 s6, $0x5  }
0xa: {  	vm0 =	vmmov $0xffff;
	v1 =	vshrl.u32 v2, $0x3;
	s9 =	simm.s32 $0x880;
	s4 =	sadd.s32 s4, s8;
	s5 =	sadd.s32 s5, s6  }
0xb: {  	v0 =	vand.u32 $0x7, v2;
	v2 =	vor.u32 $0x8, v2;
	v1 =	vmul.u32 $0x8, v1;
	s6 =	smax.u32 s7, $0x1;
	s7 =	simm.s32 $0x2;
	s8 =	simm.s32 $0x80  }
.LBB2_1:
0xc: {  	[tilespmem:s3], [sflag:$0x2] =	stream.linear.gather [hbm4b:s4+s3], $0x20, $0x38;
	[tilespmem:$0x2080] =	vst v63  }
0xd: {  	_ =	swait.ge [sflag:s7], $0x20  }
0xe: {  	[sflag:s7] =	ssyncset.done $0x0  }
0xf: {  	[sflag:s7] =	ssyncadd.s32 $0xFFFFFFE0  }
0x10: {  	v3 =	vld [tilespmem:$0x0];
	_ =	sdelay $0x4  }
0x11: {  	v4 =	vshll.u32 v3, $0x1  }
0x12: {  	v3 =	vand.u32 $0x7, v3;
	v4 =	vand.u32 $0xFFFFFFF0, v4  }
0x13: {  	v3 =	vor.u32 v3, v4  }
0x14: {  	v4 =	vperm.xlane v3, v0;
	_ =	sdelay $0x1  }
0x15: {  	v3 =	vperm.xlane v3, v2;
	v4 =	vadd.s32 v1, v4;
	_ =	sdelay $0x1  }
0x16: {  	v3 =	vadd.s32 v1, v3;
	_ =	sdelay $0x2  }
0x17: {  	[tilespmem:s8], [sflag:$0x1] =	stream.indirect_vreg.gather [hbm4b:s1+s3], $0x80, v4, vm0, $0xb8;
	[tilespmem:$0x2080] =	vst v63  }
0x18: {  	_ = 	snop  }
0x19: {  	[tilespmem:s9], [sflag:$0x1] =	stream.indirect_vreg.gather [hbm4b:s1+s3], $0x80, v3, vm0, $0xb8;
	[tilespmem:$0x2080] =	vst v63  }
0x1a: {  	v3 =	vld [tilespmem:$0x10];
	_ =	sdelay $0x4  }
0x1b: {  	v63 =	vshll.u32 v3, $0x1  }
0x1c: {  	v3 =	vand.u32 $0x7, v3;
	v4 =	vand.u32 $0xFFFFFFF0, v63  }
0x1d: {  	v3 =	vor.u32 v3, v4  }
0x1e: {  	v4 =	vperm.xlane v3, v0;
	_ =	sdelay $0x1  }
0x1f: {  	v3 =	vperm.xlane v3, v2;
	v4 =	vadd.s32 v1, v4;
	_ =	sdelay $0x1  }
0x20: {  	v3 =	vadd.s32 v1, v3;
	_ =	sdelay $0x2  }
0x21: {  	[tilespmem:s10], [sflag:$0x1] =	stream.indirect_vreg.gather [hbm4b:s1+s3], $0x80, v4, vm0, $0xb8;
	[tilespmem:$0x2080] =	vst v63  }
0x22: {  	_ = 	snop  }
0x23: {  	[tilespmem:s11], [sflag:$0x1] =	stream.indirect_vreg.gather [hbm4b:s1+s3], $0x80, v3, vm0, $0xb8;
	[tilespmem:$0x2080] =	vst v63  }
0x24: {  	_ =	swait.ge [sflag:s12], $0x2000  }
0x25: {  	p0 =	sne.s32 s6, $0x1;
	[sflag:s12] =	ssyncset.done $0x0  }
.Ltmp0:
0x26: {  	[sflag:s12] =	ssyncadd.s32 $0xFFFFE000;
	(pc) =	sbr.rel @p0 .LBB2_1-.Ltmp0, $4  }
0x27: {  	[hbm4b:s5+s3] =	stream.linear.scatter [tilespmem:s8], [sflag:$0x2], $0x2000, $0x38;
	[tilespmem:$0x2080] =	vst v63  }
0x28: {  	_ =	swait.ge [sflag:s7], $0x2000  }
0x29: {  	[sflag:s7] =	ssyncset.done $0x0  }
0x2a: {  	s6 =	sadd.s32 $0xFFFFFFFF, s6;
	[sflag:s7] =	ssyncadd.s32 $0xFFFFE000  }
0x2b: {  	_ =	sfence.sel $0x180000  }
0x2c: {  	[bflag:$0x0] =	sbarrier.arrive $0xFFFF  }
0x2d: {  	p0 =	sne.s32 s2, $0x0;
	_ =	strace $0x90000047  }
0x2e: {  	s0 =	sadd.s32 @!p0 $0x100000, s0;
	[bflag:$0x2] =	sbarrier.arrive $0xFFFF  }
0x2f: {  	[sflag:s0] =	ssyncadd.tile.s32 @!p0 $0x1;
	_ =	shalt  }
.Lfunc_end2:
_tile_overlayer_lowered:
.L_overlay_start_2:
0x30: {  	(tag) =	ssettag $0x2  }
0x31: {  	s0 =	rddreg [dreg:$0x0];
	s2 =	stileid.u32  }
0x32: {  	s1 =	rddreg [dreg:$0x1];
	p0 =	sne.s32 s2, $0x0  }
0x33: {  	s3 =	rddreg [dreg:$0x2];
	[bflag:$0x3] =	sbarrier.arrive $0xFFFF;
	s2 =	simm.s32 @!p0 $0x1C02  }
0x34: {  	[timem:s3], [sflag:s2] =	dma.local @!p0 [hbm:s0], s1  }
0x35: {  	s0 =	simm.s32 @!p0 $0x2  }
0x36: {  	_ =	swait.ge @!p0 [sflag:s0], s1  }
0x37: {  	s1 =	ssub.s32 @!p0 $0x0, s1;
	[sflag:s0] =	ssyncset.done @!p0 $0x0  }
0x38: {  	[sflag:s0] =	ssyncadd.s32 @!p0 s1  }
0x39: {  	[bflag:$0x3] =	sbarrier.arrive $0xFFFF  }
0x3a: {  	_ =	shalt  }

</sc_bundles>
